<compile_context>
chip_gen: v7x
topology: tpu7x:2x2x1
jax: 0.10.2.dev20260603
libtpu: 0.0.44.dev20260713+nightly
codegen_flags: <defaults>
</compile_context>

<pallas_src>
import functools

import jax
import jax.numpy as jnp
from jax import lax
from jax.experimental import pallas as pl
from jax.experimental.pallas import tpu as pltpu
from jax.experimental.pallas import tpu_sc as plsc

_NT = 128


def _vq_tc_body(z_ref, cb_ref,
                idx_ref, oh_ref, ih_ref, sh_ref, loss_ref, perp_ref,
                ct_ref, cn_ref, hist_ref, sm_ref, acc_ref):
    i = pl.program_id(0)
    nsteps = pl.num_programs(0)
    tpb = pl.num_programs(0) // 4
    bidx = i // tpb

    @pl.when(i == 0)
    def _():
        ct_ref[...] = cb_ref[...].T
        cn_ref[...] = jnp.sum(ct_ref[...] * ct_ref[...], axis=0,
                              keepdims=True)
        hist_ref[...] = jnp.zeros_like(hist_ref)
        sm_ref[...] = jnp.zeros_like(sm_ref)
        acc_ref[0] = 0.0
        acc_ref[1] = 0.0

    zt = z_ref[...]
    ct = ct_ref[...]
    m = jnp.dot(zt, ct, preferred_element_type=jnp.float32)
    zn = jnp.sum(zt * zt, axis=1, keepdims=True)
    d = (zn + cn_ref[...]) - 2.0 * m

    nt, kk = d.shape
    dmin = jnp.min(d, axis=1, keepdims=True)
    kiota = lax.broadcasted_iota(jnp.int32, (nt, kk), 1)
    idx_col = jnp.min(jnp.where(d == dmin, kiota, kk), axis=1,
                      keepdims=True)
    idx_row = idx_col.reshape(nt)
    idx_ref[pl.ds(i, 1), :] = idx_row[None, :]

    oh_nk = (kiota == idx_col).astype(jnp.float32)
    oh_ref[...] = oh_nk

    e = jnp.exp(dmin - d)
    ones_k = jnp.ones((kk, 1), jnp.float32)
    s = jnp.dot(e, ones_k, preferred_element_type=jnp.float32)
    rs_row = (1.0 / s).reshape(1, nt)
    sm_c = jnp.dot(rs_row, e, preferred_element_type=jnp.float32)
    ones_n = jnp.ones((1, nt), jnp.float32)
    hist_c = jnp.dot(ones_n, oh_nk, preferred_element_type=jnp.float32)

    hist_ref[pl.ds(bidx, 1), :] += hist_c
    sm_ref[pl.ds(bidx, 1), :] += sm_c
    acc_ref[0] += jnp.sum(dmin)
    acc_ref[1] += jnp.sum(jnp.log(s))

    @pl.when(i == nsteps - 1)
    def _():
        ih_ref[...] = hist_ref[...]
        sh_ref[...] = sm_ref[...]
        n_tok = jnp.float32(nsteps * nt)
        p = jnp.sum(hist_ref[...], axis=0) / n_tok
        perp = jnp.exp(-jnp.sum(p * jnp.log(p + 1e-10)))
        perp_ref[...] = perp[None, None]
        mse = acc_ref[0] / (n_tok * zt.shape[1])
        loss = 1.25 * mse + acc_ref[1] / n_tok
        loss_ref[...] = loss[None, None]


def _vq_stats(zf, cb):
    n, dd = zf.shape
    kk = cb.shape[0]
    ng = n // _NT
    out_shapes = (
        jax.ShapeDtypeStruct((ng, _NT), jnp.int32),
        jax.ShapeDtypeStruct((n, kk), jnp.float32),
        jax.ShapeDtypeStruct((4, kk), jnp.float32),
        jax.ShapeDtypeStruct((4, kk), jnp.float32),
        jax.ShapeDtypeStruct((1, 1), jnp.float32),
        jax.ShapeDtypeStruct((1, 1), jnp.float32),
    )
    return pl.pallas_call(
        _vq_tc_body,
        grid=(ng,),
        in_specs=[
            pl.BlockSpec((_NT, dd), lambda i: (i, 0)),
            pl.BlockSpec((kk, dd), lambda i: (0, 0)),
        ],
        out_specs=[
            pl.BlockSpec((ng, _NT), lambda i: (0, 0)),
            pl.BlockSpec((_NT, kk), lambda i: (i, 0)),
            pl.BlockSpec((4, kk), lambda i: (0, 0)),
            pl.BlockSpec((4, kk), lambda i: (0, 0)),
            pl.BlockSpec((1, 1), lambda i: (0, 0)),
            pl.BlockSpec((1, 1), lambda i: (0, 0)),
        ],
        out_shape=out_shapes,
        scratch_shapes=[
            pltpu.VMEM((dd, kk), jnp.float32),
            pltpu.VMEM((1, kk), jnp.float32),
            pltpu.VMEM((4, kk), jnp.float32),
            pltpu.VMEM((4, kk), jnp.float32),
            pltpu.SMEM((2,), jnp.float32),
        ],
    )(zf, cb)


def _sc_gather(codebook, idx):
    info = plsc.get_sparse_core_info()
    nc, ns = info.num_cores, info.num_subcores
    nw = nc * ns
    n_tok = idx.shape[0]
    dd = codebook.shape[1]
    b_per_w = n_tok // nw
    mesh = plsc.VectorSubcoreMesh(core_axis_name="c", subcore_axis_name="s")

    @functools.partial(
        pl.kernel, mesh=mesh,
        out_type=jax.ShapeDtypeStruct((n_tok, dd), jnp.float32),
        scratch_types=[
            pltpu.VMEM((b_per_w,), jnp.int32),
            pltpu.VMEM((b_per_w, dd), jnp.float32),
            pltpu.SemaphoreType.DMA,
        ],
    )
    def gather_k(table_hbm, idx_hbm, out_hbm, idx_v, rows_v, sem):
        wid = lax.axis_index("s") * nc + lax.axis_index("c")
        base = wid * b_per_w
        pltpu.sync_copy(idx_hbm.at[pl.ds(base, b_per_w)], idx_v)
        pltpu.async_copy(table_hbm.at[idx_v], rows_v, sem).wait()
        pltpu.sync_copy(rows_v, out_hbm.at[pl.ds(base, b_per_w)])

    return gather_k(codebook, idx)


def kernel(z, codebook):
    b, c, h, w = z.shape
    kk, dd = codebook.shape
    n = b * h * w
    zf = jnp.moveaxis(z, 1, -1).reshape(n, dd)

    idx2, oh, ih, sh, loss2, perp2 = _vq_stats(zf, codebook)

    idx_flat = idx2.reshape(n)
    zq_flat = _sc_gather(codebook, idx_flat)
    zq_st = jnp.moveaxis(zq_flat.reshape(b, h, w, dd), -1, 1)
    onehot_out = jnp.moveaxis(oh.reshape(b, h, w, kk), -1, 1)
    return (loss2[0, 0], zq_st, perp2[0, 0],
            onehot_out,
            idx_flat.reshape(b, h, w),
            ih, sh)

# --- scband reference (transcript-rebuilt; emitter-appended) ---
"""Pipeline reference for scband-vector-quantizer-64132451664479 (READ-ONLY COPY).

The authoritative reference and input builder live on the scoring server;
editing this copy changes nothing except your own understanding.
"""

import jax, jax.numpy as jnp
import numpy as np

EMBEDDING_DIM = 256
NUM_EMBEDDINGS = 8192
COMMITMENT_COST = 0.25


def setup_inputs(seed: int = 0) -> dict:
    key = jax.random.key(seed)
    k1, k2 = jax.random.split(key)
    z = jax.random.normal(k1, (4, 256, 32, 32), dtype=jnp.float32)
    codebook = jax.random.uniform(
        k2, (NUM_EMBEDDINGS, EMBEDDING_DIM), dtype=jnp.float32,
        minval=-1.0 / NUM_EMBEDDINGS, maxval=1.0 / NUM_EMBEDDINGS)
    return {"z": z, "codebook": codebook}


def reference(z, codebook):
    B = z.shape[0]
    K = codebook.shape[0]
    D = codebook.shape[1]
    spatial = z.shape[2:]
    # _calc_dist: movedim channels last, flatten, squared euclidean distances
    z_perm = jnp.moveaxis(z, 1, -1)  # [B, H, W, D]
    zf = z_perm.reshape(-1, D)       # [N, D]
    distances = (jnp.sum(zf ** 2, axis=1, keepdims=True)
                 + jnp.sum(codebook ** 2, axis=1)
                 - 2.0 * (zf @ codebook.T))  # [N, K]
    # softmax histogram over tokens per batch element
    softmax_histogram = jnp.sum(
        jax.nn.softmax(-distances, axis=-1).reshape(B, -1, K), axis=1)
    encoding_indices = jnp.argmin(distances, axis=1)  # [N]
    # cross-entropy(-distances, encoding_indices)
    logp = jax.nn.log_softmax(-distances, axis=-1)
    softmax_loss = -jnp.mean(
        jnp.take_along_axis(logp, encoding_indices[:, None], axis=1))
    encoding_onehot = jax.nn.one_hot(encoding_indices, K, dtype=jnp.float32)  # [N, K]
    # histc with bins=K, min=0, max=K-1 over integer values == per-batch bincount
    index_histogram = jnp.sum(encoding_onehot.reshape(B, -1, K), axis=1)
    # quantize via onehot matmul against codebook
    zq_flat = encoding_onehot @ codebook  # [N, D]
    zq = jnp.moveaxis(zq_flat.reshape((B,) + spatial + (D,)), -1, 1)  # [B, D, H, W]
    # losses
    commitment_loss = jnp.mean((jax.lax.stop_gradient(zq) - z) ** 2)
    quantization_loss = jnp.mean((zq - jax.lax.stop_gradient(z)) ** 2)
    loss = quantization_loss + COMMITMENT_COST * commitment_loss + softmax_loss
    avg_probs = jnp.mean(encoding_onehot, axis=0)
    perplexity = jnp.exp(-jnp.sum(avg_probs * jnp.log(avg_probs + 1e-10)))
    onehot_out = jnp.moveaxis(encoding_onehot.reshape((B,) + spatial + (K,)), -1, 1)
    # straight-through estimator
    zq_st = z + jax.lax.stop_gradient(zq - z)
    return (loss, zq_st, perplexity, onehot_out,
            encoding_indices.reshape((-1,) + spatial),
            index_histogram, softmax_histogram)

if __name__ == "__main__":
    import jax
    _d = setup_inputs()
    print(jax.jit(kernel)(*tuple(_d.values())))

</pallas_src>

<mosaic_0001>
#map = affine_map<(d0, d1) -> (0, 0)>
#map1 = affine_map<(d0, d1) -> (0)>
module attributes {stable_mosaic.version = 14 : i64} {
  func.func @gather_k(%arg0: i32, %arg1: i32, %arg2: memref<8192x256xf32, #tpu.memory_space<hbm>>, %arg3: memref<4096xi32, #tpu.memory_space<hbm>>, %arg4: memref<4096x256xf32, #tpu.memory_space<hbm>>, %arg5: memref<128xi32, #tpu.memory_space<vmem>>, %arg6: memref<128x256xf32, #tpu.memory_space<vmem>>, %arg7: memref<!tpu.dma_semaphore, #tpu.memory_space<semaphore_mem>>) attributes {dimension_semantics = [#tpu.dimension_semantics<core_parallel>, #tpu.dimension_semantics<subcore_parallel>], iteration_bounds = array<i64: 2, 16>, scalar_prefetch = 0 : i64, scratch_operands = 3 : i64, tpu.core_type = #tpu.core_type<sc_vector_subcore>, window_params = [{transform_indices = #map}, {transform_indices = #map1}, {transform_indices = #map}]} {
    %mul3A = arith.constant 2 : i32
    %mul3A_0 = arith.muli %arg1, %mul3A : i32
    %add3A = arith.addi %mul3A_0, %arg0 : i32
    %mul3A_1 = arith.constant 128 : i32
    %mul3A_2 = arith.muli %add3A, %mul3A_1 : i32
    "tpu.region"() ({
      %run_scoped3A = tpu.sem_alloc : memref<!tpu.dma_semaphore, #tpu.memory_space<semaphore_mem>>
      %dma_start3A_7 = tpu.memref_slice %arg3[%mul3A_2] : memref<4096xi32, #tpu.memory_space<hbm>> -> memref<128xi32, #tpu.memory_space<hbm>>
      %dma_start3A_8 = tpu.memref_slice %arg3[%mul3A_2] : memref<4096xi32, #tpu.memory_space<hbm>> -> memref<128xi32, #tpu.memory_space<hbm>>
      tpu.enqueue_dma source(%dma_start3A_8 : memref<128xi32, #tpu.memory_space<hbm>>) target(%arg5 : memref<128xi32, #tpu.memory_space<vmem>>) target_semaphore(%run_scoped3A : memref<!tpu.dma_semaphore, #tpu.memory_space<semaphore_mem>>)
      %dma_wait3A_9 = tpu.memref_slice %arg3[%mul3A_2] : memref<4096xi32, #tpu.memory_space<hbm>> -> memref<128xi32, #tpu.memory_space<hbm>>
      %dma_wait3A_10 = tpu.memref_slice %arg3[%mul3A_2] : memref<4096xi32, #tpu.memory_space<hbm>> -> memref<128xi32, #tpu.memory_space<hbm>>
      tpu.wait_dma2 semaphore(%run_scoped3A : memref<!tpu.dma_semaphore, #tpu.memory_space<semaphore_mem>>) src(%dma_wait3A_10 : memref<128xi32, #tpu.memory_space<hbm>>) dst(%arg5 : memref<128xi32, #tpu.memory_space<vmem>>)
      tpu.yield
    }) : () -> ()
    %dma_start3A = arith.constant 0 : i32
    %dma_start3A_3 = arith.constant 0 : i32
    %dma_start3A_4 = tpu.memref_slice %arg2[%dma_start3A, %dma_start3A_3] : memref<8192x256xf32, #tpu.memory_space<hbm>> -> memref<8192x256xf32, #tpu.memory_space<hbm>>
    tpu.enqueue_indirect_dma source(%dma_start3A_4 : memref<8192x256xf32, #tpu.memory_space<hbm>>) target(%arg6 : memref<128x256xf32, #tpu.memory_space<vmem>>) offsets(%arg5 : memref<128xi32, #tpu.memory_space<vmem>>) semaphore(%arg7 : memref<!tpu.dma_semaphore, #tpu.memory_space<semaphore_mem>>)
    %dma_wait3A = arith.constant 0 : i32
    %dma_wait3A_5 = arith.constant 0 : i32
    %dma_wait3A_6 = tpu.memref_slice %arg2[%dma_wait3A, %dma_wait3A_5] : memref<8192x256xf32, #tpu.memory_space<hbm>> -> memref<8192x256xf32, #tpu.memory_space<hbm>>
    tpu.wait_indirect_dma semaphore(%arg7 : memref<!tpu.dma_semaphore, #tpu.memory_space<semaphore_mem>>) src(%dma_wait3A_6 : memref<8192x256xf32, #tpu.memory_space<hbm>>) dst(%arg6 : memref<128x256xf32, #tpu.memory_space<vmem>>)
    "tpu.region"() ({
      %run_scoped3A = tpu.sem_alloc : memref<!tpu.dma_semaphore, #tpu.memory_space<semaphore_mem>>
      %dma_start3A_7 = arith.constant 0 : i32
      %dma_start3A_8 = tpu.memref_slice %arg4[%mul3A_2, %dma_start3A_7] : memref<4096x256xf32, #tpu.memory_space<hbm>> -> memref<128x256xf32, #tpu.memory_space<hbm>>
      %dma_start3A_9 = arith.constant 0 : i32
      %dma_start3A_10 = tpu.memref_slice %arg4[%mul3A_2, %dma_start3A_9] : memref<4096x256xf32, #tpu.memory_space<hbm>> -> memref<128x256xf32, #tpu.memory_space<hbm>>
      tpu.enqueue_dma source(%arg6 : memref<128x256xf32, #tpu.memory_space<vmem>>) target(%dma_start3A_10 : memref<128x256xf32, #tpu.memory_space<hbm>>) target_semaphore(%run_scoped3A : memref<!tpu.dma_semaphore, #tpu.memory_space<semaphore_mem>>)
      %dma_wait3A_11 = arith.constant 0 : i32
      %dma_wait3A_12 = tpu.memref_slice %arg4[%mul3A_2, %dma_wait3A_11] : memref<4096x256xf32, #tpu.memory_space<hbm>> -> memref<128x256xf32, #tpu.memory_space<hbm>>
      %dma_wait3A_13 = arith.constant 0 : i32
      %dma_wait3A_14 = tpu.memref_slice %arg4[%mul3A_2, %dma_wait3A_13] : memref<4096x256xf32, #tpu.memory_space<hbm>> -> memref<128x256xf32, #tpu.memory_space<hbm>>
      tpu.wait_dma2 semaphore(%run_scoped3A : memref<!tpu.dma_semaphore, #tpu.memory_space<semaphore_mem>>) src(%arg6 : memref<128x256xf32, #tpu.memory_space<vmem>>) dst(%dma_wait3A_14 : memref<128x256xf32, #tpu.memory_space<hbm>>)
      tpu.yield
    }) : () -> ()
    return
  }
}

module attributes {stable_mosaic.version = 14 : i64} {
  func.func @_vq_tc_body(%arg0: i32, %arg1: memref<128x256xf32, #tpu.memory_space<vmem>>, %arg2: memref<8192x256xf32, #tpu.memory_space<vmem>>, %arg3: memref<32x128xi32, #tpu.memory_space<vmem>>, %arg4: memref<128x8192xf32, #tpu.memory_space<vmem>>, %arg5: memref<4x8192xf32, #tpu.memory_space<vmem>>, %arg6: memref<4x8192xf32, #tpu.memory_space<vmem>>, %arg7: memref<1x1xf32, #tpu.memory_space<vmem>>, %arg8: memref<1x1xf32, #tpu.memory_space<vmem>>, %arg9: memref<256x8192xf32, #tpu.memory_space<vmem>>, %arg10: memref<1x8192xf32, #tpu.memory_space<vmem>>, %arg11: memref<4x8192xf32, #tpu.memory_space<vmem>>, %arg12: memref<4x8192xf32, #tpu.memory_space<vmem>>, %arg13: memref<2xf32, #tpu.memory_space<smem>>) attributes {dimension_semantics = [#tpu.dimension_semantics<arbitrary>], iteration_bounds = array<i64: 32>, scalar_prefetch = 0 : i64, scratch_operands = 5 : i64, tpu.core_type = #tpu.core_type<tc>, window_params = [{transform_indices = @transform_0, window_bounds = array<i64: 128, 256>}, {pipeline_mode = #tpu.pipeline_mode<synchronous>, transform_indices = @transform_1, window_bounds = array<i64: 8192, 256>}, {pipeline_mode = #tpu.pipeline_mode<synchronous>, transform_indices = @transform_2, window_bounds = array<i64: 32, 128>}, {transform_indices = @transform_3, window_bounds = array<i64: 128, 8192>}, {pipeline_mode = #tpu.pipeline_mode<synchronous>, transform_indices = @transform_4, window_bounds = array<i64: 4, 8192>}, {pipeline_mode = #tpu.pipeline_mode<synchronous>, transform_indices = @transform_5, window_bounds = array<i64: 4, 8192>}, {pipeline_mode = #tpu.pipeline_mode<synchronous>, transform_indices = @transform_6, window_bounds = array<i64: 1, 1>}, {pipeline_mode = #tpu.pipeline_mode<synchronous>, transform_indices = @transform_7, window_bounds = array<i64: 1, 1>}]} {
    %jit3A = arith.constant 8 : i32
    %div3A = arith.divsi %arg0, %jit3A : i32
    %sign3A = arith.constant 0 : i32
    %sign3A_0 = arith.cmpi sgt, %arg0, %sign3A : i32
    %sign3A_1 = arith.extui %sign3A_0 : i1 to i32
    %sign3A_2 = arith.constant 0 : i32
    %sign3A_3 = arith.cmpi slt, %arg0, %sign3A_2 : i32
    %sign3A_4 = arith.extui %sign3A_3 : i1 to i32
    %sign3A_5 = arith.subi %sign3A_1, %sign3A_4 : i32
    %sign3A_6 = arith.constant 0 : i32
    %sign3A_7 = arith.cmpi sgt, %jit3A, %sign3A_6 : i32
    %sign3A_8 = arith.extui %sign3A_7 : i1 to i32
    %sign3A_9 = arith.constant 0 : i32
    %sign3A_10 = arith.cmpi slt, %jit3A, %sign3A_9 : i32
    %sign3A_11 = arith.extui %sign3A_10 : i1 to i32
    %sign3A_12 = arith.subi %sign3A_8, %sign3A_11 : i32
    %ne3A = arith.cmpi ne, %sign3A_5, %sign3A_12 : i32
    %rem3A = arith.remsi %arg0, %jit3A : i32
    %ne3A_13 = arith.constant 0 : i32
    %ne3A_14 = arith.cmpi ne, %rem3A, %ne3A_13 : i32
    %and3A = arith.andi %ne3A, %ne3A_14 : i1
    %sub3A = arith.constant 1 : i32
    %sub3A_15 = arith.subi %div3A, %sub3A : i32
    %select_n3A = arith.select %and3A, %sub3A_15, %div3A : i32
    %eq3A = arith.constant 0 : i32
    %eq3A_16 = arith.cmpi eq, %arg0, %eq3A : i32
    %convert_element_type3A = arith.extui %eq3A_16 : i1 to i32
    %cond3A = arith.constant 0 : i32
    %cond3A_17 = arith.cmpi ne, %convert_element_type3A, %cond3A : i32
    scf.if %cond3A_17 {
      %get3A_109 = arith.constant 0 : index
      %get3A_110 = arith.constant 0 : index
      %get3A_111 = vector.load %arg2[%get3A_109, %get3A_110] : memref<8192x256xf32, #tpu.memory_space<vmem>>, vector<8192x256xf32>
      %transpose3A = tpu.transpose %get3A_111, [1, 0] : vector<8192x256xf32> -> vector<256x8192xf32>
      %swap3A_112 = arith.constant 0 : index
      %swap3A_113 = arith.constant 0 : index
      %swap3A_114 = vector.load %arg9[%swap3A_112, %swap3A_113] : memref<256x8192xf32, #tpu.memory_space<vmem>>, vector<256x8192xf32>
      tpu.vector_store %arg9[%swap3A_112, %swap3A_113], %transpose3A {strides = array<i32>} : memref<256x8192xf32, #tpu.memory_space<vmem>>, vector<256x8192xf32>,
      %get3A_115 = arith.constant 0 : index
      %get3A_116 = arith.constant 0 : index
      %get3A_117 = vector.load %arg9[%get3A_115, %get3A_116] : memref<256x8192xf32, #tpu.memory_space<vmem>>, vector<256x8192xf32>
      %get3A_118 = arith.constant 0 : index
      %get3A_119 = arith.constant 0 : index
      %get3A_120 = vector.load %arg9[%get3A_118, %get3A_119] : memref<256x8192xf32, #tpu.memory_space<vmem>>, vector<256x8192xf32>
      %mul3A_121 = arith.mulf %get3A_117, %get3A_120 : vector<256x8192xf32>
      %reduce_sum3A_122 = arith.constant dense<0.000000e+00> : vector<8192xf32>
      %reduce_sum3A_123 = vector.multi_reduction <add>, %mul3A_121, %reduce_sum3A_122 [0] : vector<256x8192xf32> to vector<8192xf32>
      %broadcast_in_dim3A_124 = vector.shape_cast %reduce_sum3A_123 : vector<8192xf32> to vector<1x8192xf32>
      %swap3A_125 = arith.constant 0 : index
      %swap3A_126 = arith.constant 0 : index
      %swap3A_127 = vector.load %arg10[%swap3A_125, %swap3A_126] : memref<1x8192xf32, #tpu.memory_space<vmem>>, vector<1x8192xf32>
      tpu.vector_store %arg10[%swap3A_125, %swap3A_126], %broadcast_in_dim3A_124 {strides = array<i32>} : memref<1x8192xf32, #tpu.memory_space<vmem>>, vector<1x8192xf32>,
      %broadcast_in_dim3A_128 = arith.constant 0.000000e+00 : f32
      %broadcast_in_dim3A_129 = vector.broadcast %broadcast_in_dim3A_128 : f32 to vector<4x8192xf32>
      %swap3A_130 = arith.constant 0 : index
      %swap3A_131 = arith.constant 0 : index
      %swap3A_132 = vector.load %arg11[%swap3A_130, %swap3A_131] : memref<4x8192xf32, #tpu.memory_space<vmem>>, vector<4x8192xf32>
      tpu.vector_store %arg11[%swap3A_130, %swap3A_131], %broadcast_in_dim3A_129 {strides = array<i32>} : memref<4x8192xf32, #tpu.memory_space<vmem>>, vector<4x8192xf32>,
      %broadcast_in_dim3A_133 = arith.constant 0.000000e+00 : f32
      %broadcast_in_dim3A_134 = vector.broadcast %broadcast_in_dim3A_133 : f32 to vector<4x8192xf32>
      %swap3A_135 = arith.constant 0 : index
      %swap3A_136 = arith.constant 0 : index
      %swap3A_137 = vector.load %arg12[%swap3A_135, %swap3A_136] : memref<4x8192xf32, #tpu.memory_space<vmem>>, vector<4x8192xf32>
      tpu.vector_store %arg12[%swap3A_135, %swap3A_136], %broadcast_in_dim3A_134 {strides = array<i32>} : memref<4x8192xf32, #tpu.memory_space<vmem>>, vector<4x8192xf32>,
      %swap3A_138 = arith.constant 0.000000e+00 : f32
      %swap3A_139 = arith.constant 0 : index
      %swap3A_140 = memref.load %arg13[%swap3A_139] : memref<2xf32, #tpu.memory_space<smem>>
      memref.store %swap3A_138, %arg13[%swap3A_139] : memref<2xf32, #tpu.memory_space<smem>>
      %swap3A_141 = arith.constant 0.000000e+00 : f32
      %swap3A_142 = arith.constant 1 : index
      %swap3A_143 = memref.load %arg13[%swap3A_142] : memref<2xf32, #tpu.memory_space<smem>>
      memref.store %swap3A_141, %arg13[%swap3A_142] : memref<2xf32, #tpu.memory_space<smem>>
    } else {
    }
    %get3A = arith.constant 0 : index
    %get3A_18 = arith.constant 0 : index
    %get3A_19 = vector.load %arg1[%get3A, %get3A_18] : memref<128x256xf32, #tpu.memory_space<vmem>>, vector<128x256xf32>
    %get3A_20 = arith.constant 0 : index
    %get3A_21 = arith.constant 0 : index
    %get3A_22 = vector.load %arg9[%get3A_20, %get3A_21] : memref<256x8192xf32, #tpu.memory_space<vmem>>, vector<256x8192xf32>
    %dot_general3A = arith.constant dense<0.000000e+00> : vector<128x8192xf32>
    %dot_general3A_23 = tpu.matmul %get3A_19, %get3A_22, %dot_general3A {dimension_numbers = #tpu.dot_dimension_numbers<[1], [0], [0], [1], [0, 0, 1, 1], [], []>, transpose_lhs_hint = false} : vector<128x256xf32>, vector<256x8192xf32>, vector<128x8192xf32> -> vector<128x8192xf32>
    %mul3A = arith.mulf %get3A_19, %get3A_19 : vector<128x256xf32>
    %reduce_sum3A = arith.constant dense<0.000000e+00> : vector<128xf32>
    %reduce_sum3A_24 = vector.multi_reduction <add>, %mul3A, %reduce_sum3A [1] : vector<128x256xf32> to vector<128xf32>
    %broadcast_in_dim3A = vector.shape_cast %reduce_sum3A_24 : vector<128xf32> to vector<128x1xf32>
    %get3A_25 = arith.constant 0 : index
    %get3A_26 = arith.constant 0 : index
    %get3A_27 = vector.load %arg10[%get3A_25, %get3A_26] : memref<1x8192xf32, #tpu.memory_space<vmem>>, vector<1x8192xf32>
    %add3A = vector.broadcast %broadcast_in_dim3A : vector<128x1xf32> to vector<128x8192xf32>
    %add3A_28 = vector.broadcast %get3A_27 : vector<1x8192xf32> to vector<128x8192xf32>
    %add3A_29 = arith.addf %add3A, %add3A_28 : vector<128x8192xf32>
    %mul3A_30 = arith.constant 2.000000e+00 : f32
    %mul3A_31 = vector.broadcast %mul3A_30 : f32 to vector<128x8192xf32>
    %mul3A_32 = arith.mulf %mul3A_31, %dot_general3A_23 : vector<128x8192xf32>
    %sub3A_33 = arith.subf %add3A_29, %mul3A_32 : vector<128x8192xf32>
    %reduce_min3A = arith.constant dense<0x7F800000> : vector<128xf32>
    %reduce_min3A_34 = vector.multi_reduction <minimumf>, %sub3A_33, %reduce_min3A [1] : vector<128x8192xf32> to vector<128xf32>
    %broadcast_in_dim3A_35 = vector.shape_cast %reduce_min3A_34 : vector<128xf32> to vector<128x1xf32>
    %iota3A = tpu.iota {dimensions = array<i32: 1>} : vector<128x8192xi32>
    %eq3A_36 = vector.broadcast %broadcast_in_dim3A_35 : vector<128x1xf32> to vector<128x8192xf32>
    %eq3A_37 = arith.cmpf oeq, %sub3A_33, %eq3A_36 : vector<128x8192xf32>
    %jit3A_38 = arith.constant 8192 : i32
    %broadcast_in_dim3A_39 = vector.broadcast %jit3A_38 : i32 to vector<128x8192xi32>
    %select_n3A_40 = arith.select %eq3A_37, %iota3A, %broadcast_in_dim3A_39 : vector<128x8192xi1>, vector<128x8192xi32>
    %reduce_min3A_41 = arith.constant dense<2147483647> : vector<128xi32>
    %reduce_min3A_42 = vector.multi_reduction <minsi>, %select_n3A_40, %reduce_min3A_41 [1] : vector<128x8192xi32> to vector<128xi32>
    %broadcast_in_dim3A_43 = vector.shape_cast %reduce_min3A_42 : vector<128xi32> to vector<128x1xi32>
    %reshape3A = vector.shape_cast %broadcast_in_dim3A_43 : vector<128x1xi32> to vector<128xi32>
    %broadcast_in_dim3A_44 = vector.shape_cast %reshape3A : vector<128xi32> to vector<1x128xi32>
    %swap3A = arith.index_cast %arg0 : i32 to index
    %swap3A_45 = arith.constant 0 : index
    %swap3A_46 = vector.load %arg3[%swap3A, %swap3A_45] : memref<32x128xi32, #tpu.memory_space<vmem>>, vector<1x128xi32>
    tpu.vector_store %arg3[%swap3A, %swap3A_45], %broadcast_in_dim3A_44 {strides = array<i32>} : memref<32x128xi32, #tpu.memory_space<vmem>>, vector<1x128xi32>,
    %eq3A_47 = vector.broadcast %broadcast_in_dim3A_43 : vector<128x1xi32> to vector<128x8192xi32>
    %eq3A_48 = arith.cmpi eq, %iota3A, %eq3A_47 : vector<128x8192xi32>
    %convert_element_type3A_49 = arith.extui %eq3A_48 : vector<128x8192xi1> to vector<128x8192xi32>
    %convert_element_type3A_50 = arith.sitofp %convert_element_type3A_49 : vector<128x8192xi32> to vector<128x8192xf32>
    %swap3A_51 = arith.constant 0 : index
    %swap3A_52 = arith.constant 0 : index
    %swap3A_53 = vector.load %arg4[%swap3A_51, %swap3A_52] : memref<128x8192xf32, #tpu.memory_space<vmem>>, vector<128x8192xf32>
    tpu.vector_store %arg4[%swap3A_51, %swap3A_52], %convert_element_type3A_50 {strides = array<i32>} : memref<128x8192xf32, #tpu.memory_space<vmem>>, vector<128x8192xf32>,
    %sub3A_54 = vector.broadcast %broadcast_in_dim3A_35 : vector<128x1xf32> to vector<128x8192xf32>
    %sub3A_55 = arith.subf %sub3A_54, %sub3A_33 : vector<128x8192xf32>
    %exp3A = math.exp %sub3A_55 : vector<128x8192xf32>
    %broadcast_in_dim3A_56 = arith.constant 1.000000e+00 : f32
    %broadcast_in_dim3A_57 = vector.broadcast %broadcast_in_dim3A_56 : f32 to vector<8192x1xf32>
    %dot_general3A_58 = arith.constant dense<0.000000e+00> : vector<128x1xf32>
    %dot_general3A_59 = tpu.matmul %exp3A, %broadcast_in_dim3A_57, %dot_general3A_58 {dimension_numbers = #tpu.dot_dimension_numbers<[1], [0], [0], [1], [0, 0, 1, 1], [], []>, transpose_lhs_hint = false} : vector<128x8192xf32>, vector<8192x1xf32>, vector<128x1xf32> -> vector<128x1xf32>
    %div3A_60 = arith.constant 1.000000e+00 : f32
    %div3A_61 = vector.broadcast %div3A_60 : f32 to vector<128x1xf32>
    %div3A_62 = arith.divf %div3A_61, %dot_general3A_59 : vector<128x1xf32>
    %reshape3A_63 = vector.shape_cast %div3A_62 : vector<128x1xf32> to vector<1x128xf32>
    %dot_general3A_64 = arith.constant dense<0.000000e+00> : vector<1x8192xf32>
    %dot_general3A_65 = tpu.matmul %reshape3A_63, %exp3A, %dot_general3A_64 {dimension_numbers = #tpu.dot_dimension_numbers<[1], [0], [0], [1], [0, 0, 1, 1], [], []>, transpose_lhs_hint = false} : vector<1x128xf32>, vector<128x8192xf32>, vector<1x8192xf32> -> vector<1x8192xf32>
    %broadcast_in_dim3A_66 = arith.constant 1.000000e+00 : f32
    %broadcast_in_dim3A_67 = vector.broadcast %broadcast_in_dim3A_66 : f32 to vector<1x128xf32>
    %dot_general3A_68 = arith.constant dense<0.000000e+00> : vector<1x8192xf32>
    %dot_general3A_69 = tpu.matmul %broadcast_in_dim3A_67, %convert_element_type3A_50, %dot_general3A_68 {dimension_numbers = #tpu.dot_dimension_numbers<[1], [0], [0], [1], [0, 0, 1, 1], [], []>, transpose_lhs_hint = false} : vector<1x128xf32>, vector<128x8192xf32>, vector<1x8192xf32> -> vector<1x8192xf32>
    %get3A_70 = arith.index_cast %select_n3A : i32 to index
    %get3A_71 = arith.constant 0 : index
    %get3A_72 = vector.load %arg11[%get3A_70, %get3A_71] : memref<4x8192xf32, #tpu.memory_space<vmem>>, vector<1x8192xf32>
    %add3A_73 = arith.addf %get3A_72, %dot_general3A_69 : vector<1x8192xf32>
    %swap3A_74 = arith.index_cast %select_n3A : i32 to index
    %swap3A_75 = arith.constant 0 : index
    %swap3A_76 = vector.load %arg11[%swap3A_74, %swap3A_75] : memref<4x8192xf32, #tpu.memory_space<vmem>>, vector<1x8192xf32>
    tpu.vector_store %arg11[%swap3A_74, %swap3A_75], %add3A_73 {strides = array<i32>} : memref<4x8192xf32, #tpu.memory_space<vmem>>, vector<1x8192xf32>,
    %get3A_77 = arith.index_cast %select_n3A : i32 to index
    %get3A_78 = arith.constant 0 : index
    %get3A_79 = vector.load %arg12[%get3A_77, %get3A_78] : memref<4x8192xf32, #tpu.memory_space<vmem>>, vector<1x8192xf32>
    %add3A_80 = arith.addf %get3A_79, %dot_general3A_65 : vector<1x8192xf32>
    %swap3A_81 = arith.index_cast %select_n3A : i32 to index
    %swap3A_82 = arith.constant 0 : index
    %swap3A_83 = vector.load %arg12[%swap3A_81, %swap3A_82] : memref<4x8192xf32, #tpu.memory_space<vmem>>, vector<1x8192xf32>
    tpu.vector_store %arg12[%swap3A_81, %swap3A_82], %add3A_80 {strides = array<i32>} : memref<4x8192xf32, #tpu.memory_space<vmem>>, vector<1x8192xf32>,
    %get3A_84 = arith.constant 0 : index
    %get3A_85 = memref.load %arg13[%get3A_84] : memref<2xf32, #tpu.memory_space<smem>>
    %reduce_sum3A_86 = vector.shape_cast %broadcast_in_dim3A_35 : vector<128x1xf32> to vector<1x128x1xf32>
    %reduce_sum3A_87 = arith.constant dense<0.000000e+00> : vector<1xf32>
    %reduce_sum3A_88 = vector.multi_reduction <add>, %reduce_sum3A_86, %reduce_sum3A_87 [1, 2] : vector<1x128x1xf32> to vector<1xf32>
    %reduce_sum3A_89 = vector.shape_cast %reduce_sum3A_88 : vector<1xf32> to vector<1x1x1xf32>
    %reduce_sum3A_90 = vector.extract %reduce_sum3A_89[0, 0, 0] : f32 from vector<1x1x1xf32>
    %add3A_91 = arith.addf %get3A_85, %reduce_sum3A_90 : f32
    %swap3A_92 = arith.constant 0 : index
    %swap3A_93 = memref.load %arg13[%swap3A_92] : memref<2xf32, #tpu.memory_space<smem>>
    memref.store %add3A_91, %arg13[%swap3A_92] : memref<2xf32, #tpu.memory_space<smem>>
    %get3A_94 = arith.constant 1 : index
    %get3A_95 = memref.load %arg13[%get3A_94] : memref<2xf32, #tpu.memory_space<smem>>
    %log3A = math.log %dot_general3A_59 : vector<128x1xf32>
    %reduce_sum3A_96 = vector.shape_cast %log3A : vector<128x1xf32> to vector<1x128x1xf32>
    %reduce_sum3A_97 = arith.constant dense<0.000000e+00> : vector<1xf32>
    %reduce_sum3A_98 = vector.multi_reduction <add>, %reduce_sum3A_96, %reduce_sum3A_97 [1, 2] : vector<1x128x1xf32> to vector<1xf32>
    %reduce_sum3A_99 = vector.shape_cast %reduce_sum3A_98 : vector<1xf32> to vector<1x1x1xf32>
    %reduce_sum3A_100 = vector.extract %reduce_sum3A_99[0, 0, 0] : f32 from vector<1x1x1xf32>
    %add3A_101 = arith.addf %get3A_95, %reduce_sum3A_100 : f32
    %swap3A_102 = arith.constant 1 : index
    %swap3A_103 = memref.load %arg13[%swap3A_102] : memref<2xf32, #tpu.memory_space<smem>>
    memref.store %add3A_101, %arg13[%swap3A_102] : memref<2xf32, #tpu.memory_space<smem>>
    %eq3A_104 = arith.constant 31 : i32
    %eq3A_105 = arith.cmpi eq, %arg0, %eq3A_104 : i32
    %convert_element_type3A_106 = arith.extui %eq3A_105 : i1 to i32
    %cond3A_107 = arith.constant 0 : i32
    %cond3A_108 = arith.cmpi ne, %convert_element_type3A_106, %cond3A_107 : i32
    scf.if %cond3A_108 {
      %get3A_109 = arith.constant 0 : index
      %get3A_110 = arith.constant 0 : index
      %get3A_111 = vector.load %arg11[%get3A_109, %get3A_110] : memref<4x8192xf32, #tpu.memory_space<vmem>>, vector<4x8192xf32>
      %swap3A_112 = arith.constant 0 : index
      %swap3A_113 = arith.constant 0 : index
      %swap3A_114 = vector.load %arg5[%swap3A_112, %swap3A_113] : memref<4x8192xf32, #tpu.memory_space<vmem>>, vector<4x8192xf32>
      tpu.vector_store %arg5[%swap3A_112, %swap3A_113], %get3A_111 {strides = array<i32>} : memref<4x8192xf32, #tpu.memory_space<vmem>>, vector<4x8192xf32>,
      %get3A_115 = arith.constant 0 : index
      %get3A_116 = arith.constant 0 : index
      %get3A_117 = vector.load %arg12[%get3A_115, %get3A_116] : memref<4x8192xf32, #tpu.memory_space<vmem>>, vector<4x8192xf32>
      %swap3A_118 = arith.constant 0 : index
      %swap3A_119 = arith.constant 0 : index
      %swap3A_120 = vector.load %arg6[%swap3A_118, %swap3A_119] : memref<4x8192xf32, #tpu.memory_space<vmem>>, vector<4x8192xf32>
      tpu.vector_store %arg6[%swap3A_118, %swap3A_119], %get3A_117 {strides = array<i32>} : memref<4x8192xf32, #tpu.memory_space<vmem>>, vector<4x8192xf32>,
      %get3A_121 = arith.constant 0 : index
      %get3A_122 = arith.constant 0 : index
      %get3A_123 = vector.load %arg11[%get3A_121, %get3A_122] : memref<4x8192xf32, #tpu.memory_space<vmem>>, vector<4x8192xf32>
      %reduce_sum3A_124 = arith.constant dense<0.000000e+00> : vector<8192xf32>
      %reduce_sum3A_125 = vector.multi_reduction <add>, %get3A_123, %reduce_sum3A_124 [0] : vector<4x8192xf32> to vector<8192xf32>
      %div3A_126 = arith.constant 4.096000e+03 : f32
      %div3A_127 = vector.broadcast %div3A_126 : f32 to vector<8192xf32>
      %div3A_128 = arith.divf %reduce_sum3A_125, %div3A_127 : vector<8192xf32>
      %add3A_129 = arith.constant 1.000000e-10 : f32
      %add3A_130 = vector.broadcast %add3A_129 : f32 to vector<8192xf32>
      %add3A_131 = arith.addf %div3A_128, %add3A_130 : vector<8192xf32>
      %log3A_132 = math.log %add3A_131 : vector<8192xf32>
      %mul3A_133 = arith.mulf %div3A_128, %log3A_132 : vector<8192xf32>
      %reduce_sum3A_134 = vector.shape_cast %mul3A_133 : vector<8192xf32> to vector<1x8192xf32>
      %reduce_sum3A_135 = arith.constant dense<0.000000e+00> : vector<1xf32>
      %reduce_sum3A_136 = vector.multi_reduction <add>, %reduce_sum3A_134, %reduce_sum3A_135 [1] : vector<1x8192xf32> to vector<1xf32>
      %reduce_sum3A_137 = vector.shape_cast %reduce_sum3A_136 : vector<1xf32> to vector<1x1xf32>
      %reduce_sum3A_138 = vector.extract %reduce_sum3A_137[0, 0] : f32 from vector<1x1xf32>
      %neg3A = arith.constant 0.000000e+00 : f32
      %neg3A_139 = arith.subf %neg3A, %reduce_sum3A_138 : f32
      %exp3A_140 = math.exp %neg3A_139 : f32
      %broadcast_in_dim3A_141 = vector.broadcast %exp3A_140 : f32 to vector<1x1xf32>
      %swap3A_142 = arith.constant 0 : index
      %swap3A_143 = arith.constant 0 : index
      %swap3A_144 = vector.load %arg8[%swap3A_142, %swap3A_143] : memref<1x1xf32, #tpu.memory_space<vmem>>, vector<1x1xf32>
      tpu.vector_store %arg8[%swap3A_142, %swap3A_143], %broadcast_in_dim3A_141 {strides = array<i32>} : memref<1x1xf32, #tpu.memory_space<vmem>>, vector<1x1xf32>,
      %get3A_145 = arith.constant 0 : index
      %get3A_146 = memref.load %arg13[%get3A_145] : memref<2xf32, #tpu.memory_space<smem>>
      %mul3A_147 = arith.constant 4.096000e+03 : f32
      %mul3A_148 = arith.constant 2.560000e+02 : f32
      %mul3A_149 = arith.mulf %mul3A_147, %mul3A_148 : f32
      %div3A_150 = arith.divf %get3A_146, %mul3A_149 : f32
      %mul3A_151 = arith.constant 1.250000e+00 : f32
      %mul3A_152 = arith.mulf %mul3A_151, %div3A_150 : f32
      %get3A_153 = arith.constant 1 : index
      %get3A_154 = memref.load %arg13[%get3A_153] : memref<2xf32, #tpu.memory_space<smem>>
      %div3A_155 = arith.constant 4.096000e+03 : f32
      %div3A_156 = arith.divf %get3A_154, %div3A_155 : f32
      %add3A_157 = arith.addf %mul3A_152, %div3A_156 : f32
      %broadcast_in_dim3A_158 = vector.broadcast %add3A_157 : f32 to vector<1x1xf32>
      %swap3A_159 = arith.constant 0 : index
      %swap3A_160 = arith.constant 0 : index
      %swap3A_161 = vector.load %arg7[%swap3A_159, %swap3A_160] : memref<1x1xf32, #tpu.memory_space<vmem>>, vector<1x1xf32>
      tpu.vector_store %arg7[%swap3A_159, %swap3A_160], %broadcast_in_dim3A_158 {strides = array<i32>} : memref<1x1xf32, #tpu.memory_space<vmem>>, vector<1x1xf32>,
    } else {
    }
    return
  }
  func.func @transform_0(%arg0: i32) -> (i32, i32) {
    %c0_i32 = arith.constant 0 : i32
    %c0_i32_0 = arith.constant 0 : i32
    return %arg0, %c0_i32 : i32, i32
  }
  func.func @transform_1(%arg0: i32) -> (i32, i32) {
    %c0_i32 = arith.constant 0 : i32
    %c0_i32_0 = arith.constant 0 : i32
    %c0_i32_1 = arith.constant 0 : i32
    return %c0_i32, %c0_i32_0 : i32, i32
  }
  func.func @transform_2(%arg0: i32) -> (i32, i32) {
    %c0_i32 = arith.constant 0 : i32
    %c0_i32_0 = arith.constant 0 : i32
    %c0_i32_1 = arith.constant 0 : i32
    return %c0_i32, %c0_i32_0 : i32, i32
  }
  func.func @transform_3(%arg0: i32) -> (i32, i32) {
    %c0_i32 = arith.constant 0 : i32
    %c0_i32_0 = arith.constant 0 : i32
    return %arg0, %c0_i32 : i32, i32
  }
  func.func @transform_4(%arg0: i32) -> (i32, i32) {
    %c0_i32 = arith.constant 0 : i32
    %c0_i32_0 = arith.constant 0 : i32
    %c0_i32_1 = arith.constant 0 : i32
    return %c0_i32, %c0_i32_0 : i32, i32
  }
  func.func @transform_5(%arg0: i32) -> (i32, i32) {
    %c0_i32 = arith.constant 0 : i32
    %c0_i32_0 = arith.constant 0 : i32
    %c0_i32_1 = arith.constant 0 : i32
    return %c0_i32, %c0_i32_0 : i32, i32
  }
  func.func @transform_6(%arg0: i32) -> (i32, i32) {
    %c0_i32 = arith.constant 0 : i32
    %c0_i32_0 = arith.constant 0 : i32
    %c0_i32_1 = arith.constant 0 : i32
    return %c0_i32, %c0_i32_0 : i32, i32
  }
  func.func @transform_7(%arg0: i32) -> (i32, i32) {
    %c0_i32 = arith.constant 0 : i32
    %c0_i32_0 = arith.constant 0 : i32
    %c0_i32_1 = arith.constant 0 : i32
    return %c0_i32, %c0_i32_0 : i32, i32
  }
}

</mosaic_0001>

<sc_bundles>
// kernel: kernel.4.cloned.1.call-start
scs
__scs_entry_jumppad:
0x0: {  	(pc) =	sbr.rel $0x88, $3  }
0x1: {  	(tag) =	ssettag $0x0;
	lr =	simm.s32 $0x1  }
0x2: {  	[smem:$0x3F9F] =	sst lr;
	_ =	strace $0xD0000000  }
0x3: {  	_ = 	snop  }
0x4: {  	_ = 	snop  }
0x5: {  	_ = 	snop  }
0x6: {  	_ = 	snop  }
0x7: {  	_ = 	snop  }
__scs_overlays_trampoline_lowered:
0x8: {  	[smem:$0x3FAE] =	sst s0  }
0x9: {  	[smem:$0x3FAF] =	sst s1  }
0xa: {  	[smem:$0x3FB0] =	sst s2  }
0xb: {  	[smem:$0x3FB1] =	sst s3  }
0xc: {  	[smem:$0x3FB2] =	sst s4  }
0xd: {  	[smem:$0x3FB3] =	sst s5  }
0xe: {  	[smem:$0x3FB4] =	sst s6  }
0xf: {  	[smem:$0x3FB5] =	sst s7  }
0x10: {  	[smem:$0x3FB6] =	sst s8  }
0x11: {  	[smem:$0x3FB7] =	sst s9;
	s0 =	simm.s32 @!p0 $0x0  }
0x12: {  	s1 =	sld [smem:$0x3F9D];
	s0 =	simm.s32 @p0 $0x1  }
0x13: {  	[smem:$0x3FB8] =	sst s0;
	s0 =	simm.s32 @!p1 $0x0  }
0x14: {  	s2 =	sld [smem:$0x3F9C];
	s0 =	simm.s32 @p1 $0x1  }
0x15: {  	[smem:$0x3FB9] =	sst s0;
	s0 =	simm.s32 @!p2 $0x0  }
0x16: {  	s3 =	sld [smem:$0x3FDB];
	s0 =	simm.s32 @p2 $0x1  }
0x17: {  	s4 =	simm.s32 $0x1BF5;
	[smem:$0x3FBB] =	sst s0  }
0x18: {  	s0 =	sld [smem:$0x3F9E];
	_ =	swait.ge [sflag:s4], $0x0  }
0x19: {  	s7 =	sld [smem:$0x3F9F]  }
0x1a: {  	s8 =	sadd.s32 $0xFFFFE003, lr  }
0x1b: {  	s9 =	sadd.s32 $0xFFFFFEF7, lr;
	s5 =	simm.s32 $0xFFFFFFFF;
	p2 =	slt.u32 s8, $0xFFFFF086  }
0x1c: {  	p1 =	slt.u32 s9, $0xF7A;
	s5 =	simm.s32 @!p2 $0x0  }
0x1d: {  	s5 =	simm.s32 @p1 $0x1;
	p0 =	seq.s32 s7, s2  }
0x1e: {  	s7 =	smul.u32 @!p0 $0xF7A, s2;
	p2 =	seq.s32 @!p0 s5, $0x0  }
0x1f: {  	s9 =	smul.u32 $0xF7A, s1;
	s8 =	simm.s32 @!p0 $0x1BF5;
	p2 =	por !p2, p0  }
0x20: {  	[sflag:s8] =	ssyncset.s32 @!p0 $0xFFFFF086;
	s6 =	sadd.s32 @!p0 s3, s7;
	s7 =	simm.s32 @!p0 $0x108  }
0x21: {  	s3 =	sadd.s32 s3, s9;
	s6 =	sadd.s32 @!p0 $0x88, s6;
	s7 =	simm.s32 @p2 $0x1082  }
0x22: {  	[simem:s7], [sflag:s8] =	dma.local @!p0 [hbm:s6], $0xF7A  }
0x23: {  	s9 =	sor.u32 $0xD0000000, s2;
	s6 =	simm.s32 $0x108;
	_ =	swait.ge @!p0 [sflag:s8], $0x0  }
0x24: {  	s3 =	sadd.s32 $0x88, s3;
	s6 =	simm.s32 @!p1 $0x1082;
	[sflag:s4] =	ssyncset.s32 $0xFFFFF086  }
0x25: {  	[simem:s6], [sflag:s4] =	dma.local [hbm:s3], $0xF7A  }
0x26: {  	[smem:$0x3F9F] =	sst s1;
	(tag) =	ssettag s2;
	_ =	strace s9  }
0x27: {  	s1 =	sld [smem:$0x3FAF]  }
0x28: {  	s2 =	sld [smem:$0x3FB0]  }
0x29: {  	s4 =	sld [smem:$0x3FB2]  }
0x2a: {  	p0 =	seq.s32 s5, $0x0;
	s5 =	sld [smem:$0x3FB3]  }
0x2b: {  	s6 =	sld [smem:$0x3FB4]  }
0x2c: {  	s7 =	sld [smem:$0x3FB5]  }
0x2d: {  	s3 =	simm.s32 $0x108;
	s8 =	sld [smem:$0x3FB6]  }
0x2e: {  	s3 =	simm.s32 @!p0 $0x1082;
	s9 =	sld [smem:$0x3FB7]  }
0x2f: {  	lr =	sadd.s32 s0, s3;
	s0 =	sld [smem:$0x3FAE]  }
0x30: {  	s3 =	sld [smem:$0x3FB1]  }
0x31: {  	[smem:$0x3FBA] =	sst s10  }
0x32: {  	s10 =	sld [smem:$0x3FB8];
	_ =	sdelay $0x3  }
0x33: {  	p0 =	seq.s32 s10, $0x1;
	s10 =	sld [smem:$0x3FBA];
	_ =	sdelay $0x3  }
0x34: {  	[smem:$0x3FBA] =	sst s10  }
0x35: {  	s10 =	sld [smem:$0x3FB9];
	_ =	sdelay $0x3  }
0x36: {  	p1 =	seq.s32 s10, $0x1;
	s10 =	sld [smem:$0x3FBA];
	_ =	sdelay $0x3  }
0x37: {  	[smem:$0x3FBA] =	sst s10  }
0x38: {  	s10 =	sld [smem:$0x3FBB]  }
0x39: {  	_ = 	snop;
	(pc) =	sbr.ind lr, $3  }
0x3a: {  	_ = 	snop  }
0x3b: {  	_ = 	snop  }
0x3c: {  	p2 =	seq.s32 s10, $0x1;
	s10 =	sld [smem:$0x3FBA]  }
0x3d: {  	_ =	shalt  }
0x3e: {  	_ =	shalt  }
0x3f: {  	_ =	shalt  }
0x40: {  	_ =	shalt  }
0x41: {  	_ =	shalt  }
0x42: {  	_ =	shalt  }
0x43: {  	_ =	shalt  }
0x44: {  	_ =	shalt  }
0x45: {  	_ =	shalt  }
0x46: {  	_ =	shalt  }
0x47: {  	_ =	shalt  }
0x48: {  	_ =	shalt  }
0x49: {  	_ =	shalt  }
0x4a: {  	_ =	shalt  }
0x4b: {  	_ =	shalt  }
0x4c: {  	_ =	shalt  }
0x4d: {  	_ =	shalt  }
0x4e: {  	_ =	shalt  }
0x4f: {  	_ =	shalt  }
0x50: {  	_ =	shalt  }
0x51: {  	_ =	shalt  }
0x52: {  	_ =	shalt  }
0x53: {  	_ =	shalt  }
0x54: {  	_ =	shalt  }
0x55: {  	_ =	shalt  }
0x56: {  	_ =	shalt  }
0x57: {  	_ =	shalt  }
0x58: {  	_ =	shalt  }
0x59: {  	_ =	shalt  }
0x5a: {  	_ =	shalt  }
0x5b: {  	_ =	shalt  }
0x5c: {  	_ =	shalt  }
0x5d: {  	_ =	shalt  }
0x5e: {  	_ =	shalt  }
0x5f: {  	_ =	shalt  }
0x60: {  	_ =	shalt  }
0x61: {  	_ =	shalt  }
0x62: {  	_ =	shalt  }
0x63: {  	_ =	shalt  }
0x64: {  	_ =	shalt  }
0x65: {  	_ =	shalt  }
0x66: {  	_ =	shalt  }
0x67: {  	_ =	shalt  }
0x68: {  	_ =	shalt  }
0x69: {  	_ =	shalt  }
0x6a: {  	_ =	shalt  }
0x6b: {  	_ =	shalt  }
0x6c: {  	_ =	shalt  }
0x6d: {  	_ =	shalt  }
0x6e: {  	_ =	shalt  }
0x6f: {  	_ =	shalt  }
0x70: {  	_ =	shalt  }
0x71: {  	_ =	shalt  }
0x72: {  	_ =	shalt  }
0x73: {  	_ =	shalt  }
0x74: {  	_ =	shalt  }
0x75: {  	_ =	shalt  }
0x76: {  	_ =	shalt  }
0x77: {  	_ =	shalt  }
0x78: {  	_ =	shalt  }
0x79: {  	_ =	shalt  }
0x7a: {  	_ =	shalt  }
0x7b: {  	_ =	shalt  }
0x7c: {  	_ =	shalt  }
0x7d: {  	_ =	shalt  }
0x7e: {  	_ =	shalt  }
0x7f: {  	_ =	shalt  }
0x80: {  	_ =	shalt  }
0x81: {  	_ =	shalt  }
0x82: {  	_ =	shalt  }
0x83: {  	_ =	shalt  }
0x84: {  	_ =	shalt  }
0x85: {  	_ =	shalt  }
0x86: {  	_ =	shalt  }
0x87: {  	_ =	shalt  }
.Lfunc_end0:
.L_simem_size_0:
called_computation_lowered:
.L_overlay_start_0:
0x88: {  	s2 =	sld [smem:$0x3FD9]  }
0x89: {  	s3 =	sld [smem:$0x3FFE];
	_ =	sdelay $0x1  }
0x8a: {  	s1 =	srdreg.scid  }
0x8b: {  	s0 =	sand.u32 $0x1, s1  }
0x8c: {  	s14 =	sshll.u32 s0, $0xA;
	s2 =	sadd.s32 s3, s2  }
0x8d: {  	s2 =	sadd.s32 s2, s14  }
0x8e: {  	[smem:$0x3FC6] =	sst s2  }
0x8f: {  	_ = 	snop  }
0x90: {  	s2 =	sld [smem:$0x3FD0];
	_ =	sdelay $0x2  }
0x91: {  	s4 =	simm.s32 $0xA;
	s5 =	simm.s32 $0x10;
	s15 =	sld [smem:$0x3FC8]  }
0x92: {  	[smem:s5], [sflag:s4] =	dma.local [hbm:s2], $0x1  }
0x93: {  	_ =	swait.eq [sflag:s4], $0x1  }
0x94: {  	[sflag:s4] =	ssyncset.done $0x0  }
0x95: {  	[sflag:s4] =	ssyncadd.s32 $0xFFFFFFFF  }
0x96: {  	s16 =	sld [smem:$0x11];
	(tm) =	ssettm $0x1  }
0x97: {  	s17 =	sld [smem:$0x3FFB];
	_ =	sdelay $0x3  }
0x98: {  	_ =	strace s17  }
0x99: {  	s4 =	sld [smem:$0x3FFC];
	_ =	sdelay $0x3  }
0x9a: {  	_ =	strace s4  }
0x9b: {  	s4 =	sld [smem:$0x3FFD];
	_ =	sdelay $0x3  }
0x9c: {  	_ =	strace s4  }
0x9d: {  	_ =	strace $0x8FFFFFFF  }
0x9e: {  	s18 =	sld [smem:$0x3FDB];
	_ =	sdelay $0x1  }
0x9f: {  	s19 =	simm.s32 $_scs_section_size  }
0xa0: {  	s6 =	simm.s32 $_size__tile_overlayer_lowered;
	s7 =	simm.s32 $_tile_overlayer_lowered  }
0xa1: {  	s22 =	simm.s32 $0x1BFF;
	s21 =	sshll.u32 s7, $0x1;
	s4 =	sadd.s32 s19, s18  }
0xa2: {  	s8 =	simm.s32 $0x0;
	s20 =	sshll.u32 s6, $0x1;
	s6 =	sadd.s32 s21, s4  }
0xa3: {  	[timem:s8], [sflag:s22] =	dma.local [hbm:s6], s20  }
0xa4: {  	_ =	swait.ge [sflag:s22], s20  }
0xa5: {  	s5 =	ssub.s32 $0x0, s20;
	[sflag:s22] =	ssyncset.done $0x0  }
0xa6: {  	[sflag:s22] =	ssyncadd.s32 s5;
	_ =	sdelay $0x1  }
0xa7: {  	s23 =	simm.s32 $0x1B8B  }
0xa8: {  	_ =	swait.ge [sflag:s23], $0x1  }
0xa9: {  	[sflag:s23] =	ssyncset.done $0x0  }
0xaa: {  	s25 =	simm.s32 $0x1B8E;
	s24 =	sld [smem:$0x3FFE];
	[sflag:s23] =	ssyncadd.s32 $0xFFFFFFFF  }
0xab: {  	s26 =	simm.s32 $execute0_lowered;
	[smem:$0x3FD2] =	sst s25  }
0xac: {  	s6 =	sshll.u32 s26, $0x1;
	_ =	strace $0x80000046;
	[dreg:$0x1] =	wrdreg $0xFFFFFFFF  }
0xad: {  	s28 =	simm.s32 $_size_execute0_lowered;
	s4 =	sadd.s32 s4, s6;
	[dreg:$0x0] =	wrdreg $0x0  }
0xae: {  	s6 =	sshll.u32 s28, $0x1;
	[dreg:$0x2] =	wrdreg s4  }
0xaf: {  	[dreg:$0x3] =	wrdreg s6  }
0xb0: {  	[dreg:$0x4] =	wrdreg $0xC0  }
0xb1: {  	_ =	task [dreg:s8], $0x5FFFF  }
0xb2: {  	[dreg:$0x1] =	wrdreg $0xFFFFFFFF  }
0xb3: {  	[dreg:$0x0] =	wrdreg $0x60  }
0xb4: {  	[dreg:$0x2] =	wrdreg s15  }
0xb5: {  	[dreg:$0x3] =	wrdreg s24  }
0xb6: {  	[dreg:$0x4] =	wrdreg s16  }
0xb7: {  	[dreg:$0x5] =	wrdreg $0x9  }
0xb8: {  	_ =	task.clear_ibuf [dreg:s8], $0x6FFFF;
	_ =	strace $0x90000046  }
0xb9: {  	s29 =	simm.s32 $0x9;
	_ =	strace $0x80000048  }
0xba: {  	_ =	swait.ge [sflag:s29], $0x1  }
0xbb: {  	[sflag:s29] =	ssyncadd.s32 $0xFFFFFFFF  }
0xbc: {  	_ =	strace $0x90000048  }
0xbd: {  	_ =	sfence  }
0xbe: {  	s30 =	sld [smem:$0x0];
	_ =	sdelay $0x2  }
0xbf: {  	s31 =	sshll.u32 s1, $0xD;
	s1 =	sshrl.u32 s1, $0x2  }
0xc0: {  	s3 =	sand.u32 $0x4000, s31;
	s1 =	sadd.s32 s1, s30  }
0xc1: {  	s0 =	sor.u32 s3, s0;
	s1 =	sshll.u32 s1, $0x11  }
0xc2: {  	s0 =	sor.u32 s1, s0  }
0xc3: {  	s0 =	sadd.s32 $0x8F2B, s0  }
0xc4: {  	[sflag:s0] =	ssyncadd.remote.s32 $0x1  }
0xc5: {  	_ =	sfence.sel $0xFFFF  }
0xc6: {  	[dreg:$0x0] =	wrdreg $0xFFFFFFFF;
	(pc) =	sbr.abs _section_cstart, $3  }
0xc7: {  	[dreg:$0x1] =	wrdreg $0xFFFFFFFF  }
0xc8: {  	_ =	task.clear_ibuf [dreg:s8], $0x2FFFF;
	_ =	strace $0x9FFFFFFF  }
0xc9: {  	(tm) =	ssettm $0x7FFFFFFF  }
tec
execute0_lowered:
.L_overlay_start_1:
0x0: {  	(tag) =	ssettag $0x1  }
0x1: {  	s1 =	rddreg [dreg:$0x0]  }
0x2: {  	s4 =	rddreg [dreg:$0x1]  }
0x3: {  	s5 =	rddreg [dreg:$0x2];
	s3 =	srdreg.scid  }
0x4: {  	s0 =	rddreg [dreg:$0x3];
	s2 =	stileid.u32;
	s10 =	simm.s32 $0x1080  }
0x5: {  	s11 =	simm.s32 $0x1880;
	s12 =	simm.s32 $0x2080;
	s13 =	simm.s32 $0x2880  }
0x6: {  	s14 =	simm.s32 $0x3080;
	s15 =	simm.s32 $0x3880;
	s16 =	simm.s32 $0x4080  }
0x7: {  	s17 =	simm.s32 $0x4880;
	s18 =	simm.s32 $0x5080;
	s19 =	simm.s32 $0x5880  }
0x8: {  	s20 =	simm.s32 $0x6080;
	s21 =	simm.s32 $0x6880;
	s22 =	simm.s32 $0x7080  }
0x9: {  	s23 =	simm.s32 $0x7880;
	s24 =	simm.s32 $0x1;
	s6 =	sand.u32 $0x1, s3  }
0xa: {  	s3 =	simm.s32 $0x0;
	s7 =	sshll.u32 s2, $0x8;
	s8 =	sshll.u32 s6, $0x7  }
0xb: {  	[smem:$0x7FF] =	sst s3;
	s6 =	ssub.s32 $0x2, s6;
	s7 =	sor.u32 s8, s7  }
0xc: {  	_ =	strace $0x80000047;
	s9 =	sshrl.u32 s6, $0x1;
	s8 =	sshrl.u32 s7, $0x3  }
0xd: {  	v2 =	vlaneseq.u32;
	s6 =	ssub.s32 s6, s9;
	s7 =	sshll.u32 s7, $0x5;
	s9 =	simm.s32 $0x880  }
0xe: {  	vm0 =	vmmov $0xffff;
	v1 =	vshrl.u32 v2, $0x3;
	s4 =	sadd.s32 s8, s4;
	s5 =	sadd.s32 s5, s7;
	s6 =	smax.u32 s6, $0x1  }
0xf: {  	v0 =	vand.u32 $0x7, v2;
	v2 =	vor.u32 $0x8, v2;
	v1 =	vmul.u32 $0x8, v1;
	s7 =	simm.s32 $0x2;
	s8 =	simm.s32 $0x80;
	s4 =	sadd.s32 $0xE00, s4  }
.LBB2_1:
0x10: {  	[tilespmem:s3], [sflag:$0x2] =	stream.linear.gather [hbm4b:s4+s3], $0x80, $0x38;
	[tilespmem:$0x8080] =	vst v63  }
0x11: {  	_ =	swait.ge [sflag:s7], $0x80  }
0x12: {  	[sflag:s7] =	ssyncset.done $0x0  }
0x13: {  	[sflag:s7] =	ssyncadd.s32 $0xFFFFFF80  }
0x14: {  	v3 =	vld [tilespmem:$0x0];
	_ =	sdelay $0x4  }
0x15: {  	v4 =	vshll.u32 v3, $0x1  }
0x16: {  	v3 =	vand.u32 $0x7, v3;
	v4 =	vand.u32 $0xFFFFFFF0, v4  }
0x17: {  	v3 =	vor.u32 v3, v4  }
0x18: {  	v4 =	vperm.xlane v3, v0;
	_ =	sdelay $0x1  }
0x19: {  	v3 =	vperm.xlane v3, v2;
	v4 =	vadd.s32 v1, v4;
	_ =	sdelay $0x1  }
0x1a: {  	v3 =	vadd.s32 v1, v3;
	_ =	sdelay $0x2  }
0x1b: {  	[tilespmem:s8], [sflag:$0x1] =	stream.indirect_vreg.gather [hbm4b:s1+s3], $0x80, v4, vm0, $0xb8;
	[tilespmem:$0x8080] =	vst v63  }
0x1c: {  	_ = 	snop  }
0x1d: {  	[tilespmem:s9], [sflag:$0x1] =	stream.indirect_vreg.gather [hbm4b:s1+s3], $0x80, v3, vm0, $0xb8;
	[tilespmem:$0x8080] =	vst v63  }
0x1e: {  	v3 =	vld [tilespmem:$0x10];
	_ =	sdelay $0x4  }
0x1f: {  	v57 =	vshll.u32 v3, $0x1  }
0x20: {  	v3 =	vand.u32 $0x7, v3;
	v4 =	vand.u32 $0xFFFFFFF0, v57  }
0x21: {  	v3 =	vor.u32 v3, v4  }
0x22: {  	v4 =	vperm.xlane v3, v0;
	_ =	sdelay $0x1  }
0x23: {  	v3 =	vperm.xlane v3, v2;
	v4 =	vadd.s32 v1, v4;
	_ =	sdelay $0x1  }
0x24: {  	v3 =	vadd.s32 v1, v3;
	_ =	sdelay $0x2  }
0x25: {  	[tilespmem:s10], [sflag:$0x1] =	stream.indirect_vreg.gather [hbm4b:s1+s3], $0x80, v4, vm0, $0xb8;
	[tilespmem:$0x8080] =	vst v63  }
0x26: {  	_ = 	snop  }
0x27: {  	[tilespmem:s11], [sflag:$0x1] =	stream.indirect_vreg.gather [hbm4b:s1+s3], $0x80, v3, vm0, $0xb8;
	[tilespmem:$0x8080] =	vst v63  }
0x28: {  	v3 =	vld [tilespmem:$0x20];
	_ =	sdelay $0x4  }
0x29: {  	v58 =	vshll.u32 v3, $0x1  }
0x2a: {  	v3 =	vand.u32 $0x7, v3;
	v4 =	vand.u32 $0xFFFFFFF0, v58  }
0x2b: {  	v3 =	vor.u32 v3, v4  }
0x2c: {  	v4 =	vperm.xlane v3, v0;
	_ =	sdelay $0x1  }
0x2d: {  	v3 =	vperm.xlane v3, v2;
	v4 =	vadd.s32 v1, v4;
	_ =	sdelay $0x1  }
0x2e: {  	v3 =	vadd.s32 v1, v3;
	_ =	sdelay $0x2  }
0x2f: {  	[tilespmem:s12], [sflag:$0x1] =	stream.indirect_vreg.gather [hbm4b:s1+s3], $0x80, v4, vm0, $0xb8;
	[tilespmem:$0x8080] =	vst v63  }
0x30: {  	_ = 	snop  }
0x31: {  	[tilespmem:s13], [sflag:$0x1] =	stream.indirect_vreg.gather [hbm4b:s1+s3], $0x80, v3, vm0, $0xb8;
	[tilespmem:$0x8080] =	vst v63  }
0x32: {  	v3 =	vld [tilespmem:$0x30];
	_ =	sdelay $0x4  }
0x33: {  	v59 =	vshll.u32 v3, $0x1  }
0x34: {  	v3 =	vand.u32 $0x7, v3;
	v4 =	vand.u32 $0xFFFFFFF0, v59  }
0x35: {  	v3 =	vor.u32 v3, v4  }
0x36: {  	v4 =	vperm.xlane v3, v0;
	_ =	sdelay $0x1  }
0x37: {  	v3 =	vperm.xlane v3, v2;
	v4 =	vadd.s32 v1, v4;
	_ =	sdelay $0x1  }
0x38: {  	v3 =	vadd.s32 v1, v3;
	_ =	sdelay $0x2  }
0x39: {  	[tilespmem:s14], [sflag:$0x1] =	stream.indirect_vreg.gather [hbm4b:s1+s3], $0x80, v4, vm0, $0xb8;
	[tilespmem:$0x8080] =	vst v63  }
0x3a: {  	_ = 	snop  }
0x3b: {  	[tilespmem:s15], [sflag:$0x1] =	stream.indirect_vreg.gather [hbm4b:s1+s3], $0x80, v3, vm0, $0xb8;
	[tilespmem:$0x8080] =	vst v63  }
0x3c: {  	v3 =	vld [tilespmem:$0x40];
	_ =	sdelay $0x4  }
0x3d: {  	v60 =	vshll.u32 v3, $0x1  }
0x3e: {  	v3 =	vand.u32 $0x7, v3;
	v4 =	vand.u32 $0xFFFFFFF0, v60  }
0x3f: {  	v3 =	vor.u32 v3, v4  }
0x40: {  	v4 =	vperm.xlane v3, v0;
	_ =	sdelay $0x1  }
0x41: {  	v3 =	vperm.xlane v3, v2;
	v4 =	vadd.s32 v1, v4;
	_ =	sdelay $0x1  }
0x42: {  	v3 =	vadd.s32 v1, v3;
	_ =	sdelay $0x2  }
0x43: {  	[tilespmem:s16], [sflag:$0x1] =	stream.indirect_vreg.gather [hbm4b:s1+s3], $0x80, v4, vm0, $0xb8;
	[tilespmem:$0x8080] =	vst v63  }
0x44: {  	_ = 	snop  }
0x45: {  	[tilespmem:s17], [sflag:$0x1] =	stream.indirect_vreg.gather [hbm4b:s1+s3], $0x80, v3, vm0, $0xb8;
	[tilespmem:$0x8080] =	vst v63  }
0x46: {  	v3 =	vld [tilespmem:$0x50];
	_ =	sdelay $0x4  }
0x47: {  	v61 =	vshll.u32 v3, $0x1  }
0x48: {  	v3 =	vand.u32 $0x7, v3;
	v4 =	vand.u32 $0xFFFFFFF0, v61  }
0x49: {  	v3 =	vor.u32 v3, v4  }
0x4a: {  	v4 =	vperm.xlane v3, v0;
	_ =	sdelay $0x1  }
0x4b: {  	v3 =	vperm.xlane v3, v2;
	v4 =	vadd.s32 v1, v4;
	_ =	sdelay $0x1  }
0x4c: {  	v3 =	vadd.s32 v1, v3;
	_ =	sdelay $0x2  }
0x4d: {  	[tilespmem:s18], [sflag:$0x1] =	stream.indirect_vreg.gather [hbm4b:s1+s3], $0x80, v4, vm0, $0xb8;
	[tilespmem:$0x8080] =	vst v63  }
0x4e: {  	_ = 	snop  }
0x4f: {  	[tilespmem:s19], [sflag:$0x1] =	stream.indirect_vreg.gather [hbm4b:s1+s3], $0x80, v3, vm0, $0xb8;
	[tilespmem:$0x8080] =	vst v63  }
0x50: {  	v3 =	vld [tilespmem:$0x60];
	_ =	sdelay $0x4  }
0x51: {  	v62 =	vshll.u32 v3, $0x1  }
0x52: {  	v3 =	vand.u32 $0x7, v3;
	v4 =	vand.u32 $0xFFFFFFF0, v62  }
0x53: {  	v3 =	vor.u32 v3, v4  }
0x54: {  	v4 =	vperm.xlane v3, v0;
	_ =	sdelay $0x1  }
0x55: {  	v3 =	vperm.xlane v3, v2;
	v4 =	vadd.s32 v1, v4;
	_ =	sdelay $0x1  }
0x56: {  	v3 =	vadd.s32 v1, v3;
	_ =	sdelay $0x2  }
0x57: {  	[tilespmem:s20], [sflag:$0x1] =	stream.indirect_vreg.gather [hbm4b:s1+s3], $0x80, v4, vm0, $0xb8;
	[tilespmem:$0x8080] =	vst v63  }
0x58: {  	_ = 	snop  }
0x59: {  	[tilespmem:s21], [sflag:$0x1] =	stream.indirect_vreg.gather [hbm4b:s1+s3], $0x80, v3, vm0, $0xb8;
	[tilespmem:$0x8080] =	vst v63  }
0x5a: {  	v3 =	vld [tilespmem:$0x70];
	_ =	sdelay $0x4  }
0x5b: {  	v63 =	vshll.u32 v3, $0x1  }
0x5c: {  	v3 =	vand.u32 $0x7, v3;
	v4 =	vand.u32 $0xFFFFFFF0, v63  }
0x5d: {  	v3 =	vor.u32 v3, v4  }
0x5e: {  	v4 =	vperm.xlane v3, v0;
	_ =	sdelay $0x1  }
0x5f: {  	v3 =	vperm.xlane v3, v2;
	v4 =	vadd.s32 v1, v4;
	_ =	sdelay $0x1  }
0x60: {  	v3 =	vadd.s32 v1, v3;
	_ =	sdelay $0x2  }
0x61: {  	[tilespmem:s22], [sflag:$0x1] =	stream.indirect_vreg.gather [hbm4b:s1+s3], $0x80, v4, vm0, $0xb8;
	[tilespmem:$0x8080] =	vst v63  }
0x62: {  	_ = 	snop  }
0x63: {  	[tilespmem:s23], [sflag:$0x1] =	stream.indirect_vreg.gather [hbm4b:s1+s3], $0x80, v3, vm0, $0xb8;
	[tilespmem:$0x8080] =	vst v63  }
0x64: {  	_ =	swait.ge [sflag:s24], $0x8000  }
0x65: {  	p0 =	sne.s32 s6, $0x1;
	[sflag:s24] =	ssyncset.done $0x0  }
.Ltmp0:
0x66: {  	[sflag:s24] =	ssyncadd.s32 $0xFFFF8000;
	(pc) =	sbr.rel @p0 .LBB2_1-.Ltmp0, $4  }
0x67: {  	[hbm4b:s5+s3] =	stream.linear.scatter [tilespmem:s8], [sflag:$0x2], $0x8000, $0x38;
	[tilespmem:$0x8080] =	vst v63  }
0x68: {  	_ =	swait.ge [sflag:s7], $0x8000  }
0x69: {  	[sflag:s7] =	ssyncset.done $0x0  }
0x6a: {  	s6 =	sadd.s32 $0xFFFFFFFF, s6;
	[sflag:s7] =	ssyncadd.s32 $0xFFFF8000  }
0x6b: {  	_ =	sfence.sel $0x180000  }
0x6c: {  	[bflag:$0x0] =	sbarrier.arrive $0xFFFF  }
0x6d: {  	p0 =	sne.s32 s2, $0x0;
	_ =	strace $0x90000047  }
0x6e: {  	s0 =	sadd.s32 @!p0 $0x100000, s0;
	[bflag:$0x2] =	sbarrier.arrive $0xFFFF  }
0x6f: {  	[sflag:s0] =	ssyncadd.tile.s32 @!p0 $0x1;
	_ =	shalt  }
.Lfunc_end2:
_tile_overlayer_lowered:
.L_overlay_start_2:
0x70: {  	(tag) =	ssettag $0x2  }
0x71: {  	s0 =	rddreg [dreg:$0x0];
	s2 =	stileid.u32  }
0x72: {  	s1 =	rddreg [dreg:$0x1];
	p0 =	sne.s32 s2, $0x0  }
0x73: {  	s3 =	rddreg [dreg:$0x2];
	[bflag:$0x3] =	sbarrier.arrive $0xFFFF;
	s2 =	simm.s32 @!p0 $0x1C02  }
0x74: {  	[timem:s3], [sflag:s2] =	dma.local @!p0 [hbm:s0], s1  }
0x75: {  	s0 =	simm.s32 @!p0 $0x2  }
0x76: {  	_ =	swait.ge @!p0 [sflag:s0], s1  }
0x77: {  	s1 =	ssub.s32 @!p0 $0x0, s1;
	[sflag:s0] =	ssyncset.done @!p0 $0x0  }
0x78: {  	[sflag:s0] =	ssyncadd.s32 @!p0 s1  }
0x79: {  	[bflag:$0x3] =	sbarrier.arrive $0xFFFF  }
0x7a: {  	_ =	shalt  }

</sc_bundles>
